<compile_context>
chip_gen: v7x
topology: tpu7x:2x2x1
jax: 0.10.2.dev20260603
libtpu: 0.0.44.dev20260713+nightly
codegen_flags: <defaults>
</compile_context>

<pallas_src>
import functools

import jax
import jax.numpy as jnp
from jax.experimental import pallas as pl
from jax.experimental.pallas import tpu as pltpu
from jax.experimental.pallas import tpu_sc as plsc


def kernel(output, length):
    B, T, D = output.shape
    mesh = plsc.ScalarSubcoreMesh(axis_name="c", num_cores=1)

    @functools.partial(
        pl.kernel,
        mesh=mesh,
        out_type=jax.ShapeDtypeStruct((B, D), jnp.float32),
        scratch_types=[
            pltpu.SMEM((B,), jnp.int32),
            pltpu.SemaphoreType.DMA,
        ],
    )
    def gather_last(len_hbm, seq_hbm, out_hbm, len_s, sem):
        pltpu.sync_copy(len_hbm, len_s)
        copies = []
        for b in range(B):
            t = len_s[b] - 1
            copies.append(
                pltpu.make_async_copy(
                    seq_hbm.at[b].at[pl.ds(t, 1)], out_hbm.at[pl.ds(b, 1)], sem
                )
            )
        for c in copies:
            c.start()
        for c in copies:
            c.wait()

    return gather_last(length, output)

# --- scband reference (transcript-rebuilt; emitter-appended) ---
"""Pipeline reference for scband-last-relevant-layer-mod-3487513444399 (READ-ONLY COPY).

The authoritative reference and input builder live on the scoring server;
editing this copy changes nothing except your own understanding.
"""

import jax, jax.numpy as jnp
import numpy as np

B, T, D = 16, 2048, 1024

def setup_inputs(seed: int = 0) -> dict:
    key = jax.random.key(seed)
    k1, k2 = jax.random.split(key)
    output = jax.random.normal(k1, (B, T, D), dtype=jnp.float32)
    # lengths in [1, T] so that length-1 is a valid timestep index
    length = jax.random.randint(k2, (B,), 1, T + 1, dtype=jnp.int32)
    return {"output": output, "length": length}

def reference(output, length):
    batch_size = output.shape[0]
    max_length = output.shape[1]
    out_size = output.shape[2]
    index = jnp.arange(0, batch_size, dtype=jnp.int32) * max_length + (length.astype(jnp.int32) - 1)
    flat = output.reshape(-1, out_size)
    relevant = jnp.take(flat, index, axis=0)
    relevant = relevant.reshape(batch_size, out_size)
    return relevant

if __name__ == "__main__":
    import jax
    _d = setup_inputs()
    print(jax.jit(kernel)(*tuple(_d.values())))

</pallas_src>

<mosaic_0001>
#map = affine_map<(d0) -> (0)>
#map1 = affine_map<(d0) -> (0, 0, 0)>
#map2 = affine_map<(d0) -> (0, 0)>
module attributes {stable_mosaic.version = 14 : i64} {
  func.func @gather_last(%arg0: i32, %arg1: memref<16xi32, #tpu.memory_space<hbm>>, %arg2: memref<16x2048x1024xf32, #tpu.memory_space<hbm>>, %arg3: memref<16x1024xf32, #tpu.memory_space<hbm>>, %arg4: memref<16xi32, #tpu.memory_space<smem>>, %arg5: memref<!tpu.dma_semaphore, #tpu.memory_space<semaphore_mem>>) attributes {dimension_semantics = [#tpu.dimension_semantics<core_parallel>], iteration_bounds = array<i64: 1>, scalar_prefetch = 0 : i64, scratch_operands = 2 : i64, tpu.core_type = #tpu.core_type<sc_scalar_subcore>, window_params = [{transform_indices = #map}, {transform_indices = #map1}, {transform_indices = #map2}]} {
    "tpu.region"() ({
      %run_scoped3A = tpu.sem_alloc : memref<!tpu.dma_semaphore, #tpu.memory_space<semaphore_mem>>
      tpu.enqueue_dma source(%arg1 : memref<16xi32, #tpu.memory_space<hbm>>) target(%arg4 : memref<16xi32, #tpu.memory_space<smem>>) target_semaphore(%run_scoped3A : memref<!tpu.dma_semaphore, #tpu.memory_space<semaphore_mem>>)
      tpu.wait_dma2 semaphore(%run_scoped3A : memref<!tpu.dma_semaphore, #tpu.memory_space<semaphore_mem>>) src(%arg1 : memref<16xi32, #tpu.memory_space<hbm>>) dst(%arg4 : memref<16xi32, #tpu.memory_space<smem>>)
      tpu.yield
    }) : () -> ()
    %get3A = arith.constant 0 : i32
    %get3A_0 = arith.index_cast %get3A : i32 to index
    %get3A_1 = memref.load %arg4[%get3A_0] : memref<16xi32, #tpu.memory_space<smem>>
    %sub3A = arith.constant 1 : i32
    %sub3A_2 = arith.subi %get3A_1, %sub3A : i32
    %get3A_3 = arith.constant 1 : i32
    %get3A_4 = arith.index_cast %get3A_3 : i32 to index
    %get3A_5 = memref.load %arg4[%get3A_4] : memref<16xi32, #tpu.memory_space<smem>>
    %sub3A_6 = arith.constant 1 : i32
    %sub3A_7 = arith.subi %get3A_5, %sub3A_6 : i32
    %get3A_8 = arith.constant 2 : i32
    %get3A_9 = arith.index_cast %get3A_8 : i32 to index
    %get3A_10 = memref.load %arg4[%get3A_9] : memref<16xi32, #tpu.memory_space<smem>>
    %sub3A_11 = arith.constant 1 : i32
    %sub3A_12 = arith.subi %get3A_10, %sub3A_11 : i32
    %get3A_13 = arith.constant 3 : i32
    %get3A_14 = arith.index_cast %get3A_13 : i32 to index
    %get3A_15 = memref.load %arg4[%get3A_14] : memref<16xi32, #tpu.memory_space<smem>>
    %sub3A_16 = arith.constant 1 : i32
    %sub3A_17 = arith.subi %get3A_15, %sub3A_16 : i32
    %get3A_18 = arith.constant 4 : i32
    %get3A_19 = arith.index_cast %get3A_18 : i32 to index
    %get3A_20 = memref.load %arg4[%get3A_19] : memref<16xi32, #tpu.memory_space<smem>>
    %sub3A_21 = arith.constant 1 : i32
    %sub3A_22 = arith.subi %get3A_20, %sub3A_21 : i32
    %get3A_23 = arith.constant 5 : i32
    %get3A_24 = arith.index_cast %get3A_23 : i32 to index
    %get3A_25 = memref.load %arg4[%get3A_24] : memref<16xi32, #tpu.memory_space<smem>>
    %sub3A_26 = arith.constant 1 : i32
    %sub3A_27 = arith.subi %get3A_25, %sub3A_26 : i32
    %get3A_28 = arith.constant 6 : i32
    %get3A_29 = arith.index_cast %get3A_28 : i32 to index
    %get3A_30 = memref.load %arg4[%get3A_29] : memref<16xi32, #tpu.memory_space<smem>>
    %sub3A_31 = arith.constant 1 : i32
    %sub3A_32 = arith.subi %get3A_30, %sub3A_31 : i32
    %get3A_33 = arith.constant 7 : i32
    %get3A_34 = arith.index_cast %get3A_33 : i32 to index
    %get3A_35 = memref.load %arg4[%get3A_34] : memref<16xi32, #tpu.memory_space<smem>>
    %sub3A_36 = arith.constant 1 : i32
    %sub3A_37 = arith.subi %get3A_35, %sub3A_36 : i32
    %get3A_38 = arith.constant 8 : i32
    %get3A_39 = arith.index_cast %get3A_38 : i32 to index
    %get3A_40 = memref.load %arg4[%get3A_39] : memref<16xi32, #tpu.memory_space<smem>>
    %sub3A_41 = arith.constant 1 : i32
    %sub3A_42 = arith.subi %get3A_40, %sub3A_41 : i32
    %get3A_43 = arith.constant 9 : i32
    %get3A_44 = arith.index_cast %get3A_43 : i32 to index
    %get3A_45 = memref.load %arg4[%get3A_44] : memref<16xi32, #tpu.memory_space<smem>>
    %sub3A_46 = arith.constant 1 : i32
    %sub3A_47 = arith.subi %get3A_45, %sub3A_46 : i32
    %get3A_48 = arith.constant 10 : i32
    %get3A_49 = arith.index_cast %get3A_48 : i32 to index
    %get3A_50 = memref.load %arg4[%get3A_49] : memref<16xi32, #tpu.memory_space<smem>>
    %sub3A_51 = arith.constant 1 : i32
    %sub3A_52 = arith.subi %get3A_50, %sub3A_51 : i32
    %get3A_53 = arith.constant 11 : i32
    %get3A_54 = arith.index_cast %get3A_53 : i32 to index
    %get3A_55 = memref.load %arg4[%get3A_54] : memref<16xi32, #tpu.memory_space<smem>>
    %sub3A_56 = arith.constant 1 : i32
    %sub3A_57 = arith.subi %get3A_55, %sub3A_56 : i32
    %get3A_58 = arith.constant 12 : i32
    %get3A_59 = arith.index_cast %get3A_58 : i32 to index
    %get3A_60 = memref.load %arg4[%get3A_59] : memref<16xi32, #tpu.memory_space<smem>>
    %sub3A_61 = arith.constant 1 : i32
    %sub3A_62 = arith.subi %get3A_60, %sub3A_61 : i32
    %get3A_63 = arith.constant 13 : i32
    %get3A_64 = arith.index_cast %get3A_63 : i32 to index
    %get3A_65 = memref.load %arg4[%get3A_64] : memref<16xi32, #tpu.memory_space<smem>>
    %sub3A_66 = arith.constant 1 : i32
    %sub3A_67 = arith.subi %get3A_65, %sub3A_66 : i32
    %get3A_68 = arith.constant 14 : i32
    %get3A_69 = arith.index_cast %get3A_68 : i32 to index
    %get3A_70 = memref.load %arg4[%get3A_69] : memref<16xi32, #tpu.memory_space<smem>>
    %sub3A_71 = arith.constant 1 : i32
    %sub3A_72 = arith.subi %get3A_70, %sub3A_71 : i32
    %get3A_73 = arith.constant 15 : i32
    %get3A_74 = arith.index_cast %get3A_73 : i32 to index
    %get3A_75 = memref.load %arg4[%get3A_74] : memref<16xi32, #tpu.memory_space<smem>>
    %sub3A_76 = arith.constant 1 : i32
    %sub3A_77 = arith.subi %get3A_75, %sub3A_76 : i32
    %dma_start3A = arith.constant 0 : i32
    %dma_start3A_78 = arith.constant 0 : i32
    %dma_start3A_79 = arith.constant 0 : i32
    %dma_start3A_80 = tpu.memref_slice %arg3[%dma_start3A_78, %dma_start3A_79] : memref<16x1024xf32, #tpu.memory_space<hbm>> -> memref<1x1024xf32, #tpu.memory_space<hbm>>
    %dma_start3A_81 = arith.constant 0 : i32
    %dma_start3A_82 = arith.constant 0 : i32
    %dma_start3A_83 = tpu.memref_slice %arg2[%dma_start3A, %dma_start3A_81, %dma_start3A_82] : memref<16x2048x1024xf32, #tpu.memory_space<hbm>> -> memref<1x2048x1024xf32, #tpu.memory_space<hbm>>
    %dma_start3A_84 = tpu.memref_squeeze %dma_start3A_83 : memref<1x2048x1024xf32, #tpu.memory_space<hbm>> -> memref<2048x1024xf32, #tpu.memory_space<hbm>>
    %dma_start3A_85 = arith.constant 0 : i32
    %dma_start3A_86 = tpu.memref_slice %dma_start3A_84[%sub3A_2, %dma_start3A_85] : memref<2048x1024xf32, #tpu.memory_space<hbm>> -> memref<1x1024xf32, #tpu.memory_space<hbm>>
    tpu.enqueue_dma source(%dma_start3A_86 : memref<1x1024xf32, #tpu.memory_space<hbm>>) target(%dma_start3A_80 : memref<1x1024xf32, #tpu.memory_space<hbm>>) target_semaphore(%arg5 : memref<!tpu.dma_semaphore, #tpu.memory_space<semaphore_mem>>)
    %dma_start3A_87 = arith.constant 1 : i32
    %dma_start3A_88 = arith.constant 1 : i32
    %dma_start3A_89 = arith.constant 0 : i32
    %dma_start3A_90 = tpu.memref_slice %arg3[%dma_start3A_88, %dma_start3A_89] : memref<16x1024xf32, #tpu.memory_space<hbm>> -> memref<1x1024xf32, #tpu.memory_space<hbm>>
    %dma_start3A_91 = arith.constant 0 : i32
    %dma_start3A_92 = arith.constant 0 : i32
    %dma_start3A_93 = tpu.memref_slice %arg2[%dma_start3A_87, %dma_start3A_91, %dma_start3A_92] : memref<16x2048x1024xf32, #tpu.memory_space<hbm>> -> memref<1x2048x1024xf32, #tpu.memory_space<hbm>>
    %dma_start3A_94 = tpu.memref_squeeze %dma_start3A_93 : memref<1x2048x1024xf32, #tpu.memory_space<hbm>> -> memref<2048x1024xf32, #tpu.memory_space<hbm>>
    %dma_start3A_95 = arith.constant 0 : i32
    %dma_start3A_96 = tpu.memref_slice %dma_start3A_94[%sub3A_7, %dma_start3A_95] : memref<2048x1024xf32, #tpu.memory_space<hbm>> -> memref<1x1024xf32, #tpu.memory_space<hbm>>
    tpu.enqueue_dma source(%dma_start3A_96 : memref<1x1024xf32, #tpu.memory_space<hbm>>) target(%dma_start3A_90 : memref<1x1024xf32, #tpu.memory_space<hbm>>) target_semaphore(%arg5 : memref<!tpu.dma_semaphore, #tpu.memory_space<semaphore_mem>>)
    %dma_start3A_97 = arith.constant 2 : i32
    %dma_start3A_98 = arith.constant 2 : i32
    %dma_start3A_99 = arith.constant 0 : i32
    %dma_start3A_100 = tpu.memref_slice %arg3[%dma_start3A_98, %dma_start3A_99] : memref<16x1024xf32, #tpu.memory_space<hbm>> -> memref<1x1024xf32, #tpu.memory_space<hbm>>
    %dma_start3A_101 = arith.constant 0 : i32
    %dma_start3A_102 = arith.constant 0 : i32
    %dma_start3A_103 = tpu.memref_slice %arg2[%dma_start3A_97, %dma_start3A_101, %dma_start3A_102] : memref<16x2048x1024xf32, #tpu.memory_space<hbm>> -> memref<1x2048x1024xf32, #tpu.memory_space<hbm>>
    %dma_start3A_104 = tpu.memref_squeeze %dma_start3A_103 : memref<1x2048x1024xf32, #tpu.memory_space<hbm>> -> memref<2048x1024xf32, #tpu.memory_space<hbm>>
    %dma_start3A_105 = arith.constant 0 : i32
    %dma_start3A_106 = tpu.memref_slice %dma_start3A_104[%sub3A_12, %dma_start3A_105] : memref<2048x1024xf32, #tpu.memory_space<hbm>> -> memref<1x1024xf32, #tpu.memory_space<hbm>>
    tpu.enqueue_dma source(%dma_start3A_106 : memref<1x1024xf32, #tpu.memory_space<hbm>>) target(%dma_start3A_100 : memref<1x1024xf32, #tpu.memory_space<hbm>>) target_semaphore(%arg5 : memref<!tpu.dma_semaphore, #tpu.memory_space<semaphore_mem>>)
    %dma_start3A_107 = arith.constant 3 : i32
    %dma_start3A_108 = arith.constant 3 : i32
    %dma_start3A_109 = arith.constant 0 : i32
    %dma_start3A_110 = tpu.memref_slice %arg3[%dma_start3A_108, %dma_start3A_109] : memref<16x1024xf32, #tpu.memory_space<hbm>> -> memref<1x1024xf32, #tpu.memory_space<hbm>>
    %dma_start3A_111 = arith.constant 0 : i32
    %dma_start3A_112 = arith.constant 0 : i32
    %dma_start3A_113 = tpu.memref_slice %arg2[%dma_start3A_107, %dma_start3A_111, %dma_start3A_112] : memref<16x2048x1024xf32, #tpu.memory_space<hbm>> -> memref<1x2048x1024xf32, #tpu.memory_space<hbm>>
    %dma_start3A_114 = tpu.memref_squeeze %dma_start3A_113 : memref<1x2048x1024xf32, #tpu.memory_space<hbm>> -> memref<2048x1024xf32, #tpu.memory_space<hbm>>
    %dma_start3A_115 = arith.constant 0 : i32
    %dma_start3A_116 = tpu.memref_slice %dma_start3A_114[%sub3A_17, %dma_start3A_115] : memref<2048x1024xf32, #tpu.memory_space<hbm>> -> memref<1x1024xf32, #tpu.memory_space<hbm>>
    tpu.enqueue_dma source(%dma_start3A_116 : memref<1x1024xf32, #tpu.memory_space<hbm>>) target(%dma_start3A_110 : memref<1x1024xf32, #tpu.memory_space<hbm>>) target_semaphore(%arg5 : memref<!tpu.dma_semaphore, #tpu.memory_space<semaphore_mem>>)
    %dma_start3A_117 = arith.constant 4 : i32
    %dma_start3A_118 = arith.constant 4 : i32
    %dma_start3A_119 = arith.constant 0 : i32
    %dma_start3A_120 = tpu.memref_slice %arg3[%dma_start3A_118, %dma_start3A_119] : memref<16x1024xf32, #tpu.memory_space<hbm>> -> memref<1x1024xf32, #tpu.memory_space<hbm>>
    %dma_start3A_121 = arith.constant 0 : i32
    %dma_start3A_122 = arith.constant 0 : i32
    %dma_start3A_123 = tpu.memref_slice %arg2[%dma_start3A_117, %dma_start3A_121, %dma_start3A_122] : memref<16x2048x1024xf32, #tpu.memory_space<hbm>> -> memref<1x2048x1024xf32, #tpu.memory_space<hbm>>
    %dma_start3A_124 = tpu.memref_squeeze %dma_start3A_123 : memref<1x2048x1024xf32, #tpu.memory_space<hbm>> -> memref<2048x1024xf32, #tpu.memory_space<hbm>>
    %dma_start3A_125 = arith.constant 0 : i32
    %dma_start3A_126 = tpu.memref_slice %dma_start3A_124[%sub3A_22, %dma_start3A_125] : memref<2048x1024xf32, #tpu.memory_space<hbm>> -> memref<1x1024xf32, #tpu.memory_space<hbm>>
    tpu.enqueue_dma source(%dma_start3A_126 : memref<1x1024xf32, #tpu.memory_space<hbm>>) target(%dma_start3A_120 : memref<1x1024xf32, #tpu.memory_space<hbm>>) target_semaphore(%arg5 : memref<!tpu.dma_semaphore, #tpu.memory_space<semaphore_mem>>)
    %dma_start3A_127 = arith.constant 5 : i32
    %dma_start3A_128 = arith.constant 5 : i32
    %dma_start3A_129 = arith.constant 0 : i32
    %dma_start3A_130 = tpu.memref_slice %arg3[%dma_start3A_128, %dma_start3A_129] : memref<16x1024xf32, #tpu.memory_space<hbm>> -> memref<1x1024xf32, #tpu.memory_space<hbm>>
    %dma_start3A_131 = arith.constant 0 : i32
    %dma_start3A_132 = arith.constant 0 : i32
    %dma_start3A_133 = tpu.memref_slice %arg2[%dma_start3A_127, %dma_start3A_131, %dma_start3A_132] : memref<16x2048x1024xf32, #tpu.memory_space<hbm>> -> memref<1x2048x1024xf32, #tpu.memory_space<hbm>>
    %dma_start3A_134 = tpu.memref_squeeze %dma_start3A_133 : memref<1x2048x1024xf32, #tpu.memory_space<hbm>> -> memref<2048x1024xf32, #tpu.memory_space<hbm>>
    %dma_start3A_135 = arith.constant 0 : i32
    %dma_start3A_136 = tpu.memref_slice %dma_start3A_134[%sub3A_27, %dma_start3A_135] : memref<2048x1024xf32, #tpu.memory_space<hbm>> -> memref<1x1024xf32, #tpu.memory_space<hbm>>
    tpu.enqueue_dma source(%dma_start3A_136 : memref<1x1024xf32, #tpu.memory_space<hbm>>) target(%dma_start3A_130 : memref<1x1024xf32, #tpu.memory_space<hbm>>) target_semaphore(%arg5 : memref<!tpu.dma_semaphore, #tpu.memory_space<semaphore_mem>>)
    %dma_start3A_137 = arith.constant 6 : i32
    %dma_start3A_138 = arith.constant 6 : i32
    %dma_start3A_139 = arith.constant 0 : i32
    %dma_start3A_140 = tpu.memref_slice %arg3[%dma_start3A_138, %dma_start3A_139] : memref<16x1024xf32, #tpu.memory_space<hbm>> -> memref<1x1024xf32, #tpu.memory_space<hbm>>
    %dma_start3A_141 = arith.constant 0 : i32
    %dma_start3A_142 = arith.constant 0 : i32
    %dma_start3A_143 = tpu.memref_slice %arg2[%dma_start3A_137, %dma_start3A_141, %dma_start3A_142] : memref<16x2048x1024xf32, #tpu.memory_space<hbm>> -> memref<1x2048x1024xf32, #tpu.memory_space<hbm>>
    %dma_start3A_144 = tpu.memref_squeeze %dma_start3A_143 : memref<1x2048x1024xf32, #tpu.memory_space<hbm>> -> memref<2048x1024xf32, #tpu.memory_space<hbm>>
    %dma_start3A_145 = arith.constant 0 : i32
    %dma_start3A_146 = tpu.memref_slice %dma_start3A_144[%sub3A_32, %dma_start3A_145] : memref<2048x1024xf32, #tpu.memory_space<hbm>> -> memref<1x1024xf32, #tpu.memory_space<hbm>>
    tpu.enqueue_dma source(%dma_start3A_146 : memref<1x1024xf32, #tpu.memory_space<hbm>>) target(%dma_start3A_140 : memref<1x1024xf32, #tpu.memory_space<hbm>>) target_semaphore(%arg5 : memref<!tpu.dma_semaphore, #tpu.memory_space<semaphore_mem>>)
    %dma_start3A_147 = arith.constant 7 : i32
    %dma_start3A_148 = arith.constant 7 : i32
    %dma_start3A_149 = arith.constant 0 : i32
    %dma_start3A_150 = tpu.memref_slice %arg3[%dma_start3A_148, %dma_start3A_149] : memref<16x1024xf32, #tpu.memory_space<hbm>> -> memref<1x1024xf32, #tpu.memory_space<hbm>>
    %dma_start3A_151 = arith.constant 0 : i32
    %dma_start3A_152 = arith.constant 0 : i32
    %dma_start3A_153 = tpu.memref_slice %arg2[%dma_start3A_147, %dma_start3A_151, %dma_start3A_152] : memref<16x2048x1024xf32, #tpu.memory_space<hbm>> -> memref<1x2048x1024xf32, #tpu.memory_space<hbm>>
    %dma_start3A_154 = tpu.memref_squeeze %dma_start3A_153 : memref<1x2048x1024xf32, #tpu.memory_space<hbm>> -> memref<2048x1024xf32, #tpu.memory_space<hbm>>
    %dma_start3A_155 = arith.constant 0 : i32
    %dma_start3A_156 = tpu.memref_slice %dma_start3A_154[%sub3A_37, %dma_start3A_155] : memref<2048x1024xf32, #tpu.memory_space<hbm>> -> memref<1x1024xf32, #tpu.memory_space<hbm>>
    tpu.enqueue_dma source(%dma_start3A_156 : memref<1x1024xf32, #tpu.memory_space<hbm>>) target(%dma_start3A_150 : memref<1x1024xf32, #tpu.memory_space<hbm>>) target_semaphore(%arg5 : memref<!tpu.dma_semaphore, #tpu.memory_space<semaphore_mem>>)
    %dma_start3A_157 = arith.constant 8 : i32
    %dma_start3A_158 = arith.constant 8 : i32
    %dma_start3A_159 = arith.constant 0 : i32
    %dma_start3A_160 = tpu.memref_slice %arg3[%dma_start3A_158, %dma_start3A_159] : memref<16x1024xf32, #tpu.memory_space<hbm>> -> memref<1x1024xf32, #tpu.memory_space<hbm>>
    %dma_start3A_161 = arith.constant 0 : i32
    %dma_start3A_162 = arith.constant 0 : i32
    %dma_start3A_163 = tpu.memref_slice %arg2[%dma_start3A_157, %dma_start3A_161, %dma_start3A_162] : memref<16x2048x1024xf32, #tpu.memory_space<hbm>> -> memref<1x2048x1024xf32, #tpu.memory_space<hbm>>
    %dma_start3A_164 = tpu.memref_squeeze %dma_start3A_163 : memref<1x2048x1024xf32, #tpu.memory_space<hbm>> -> memref<2048x1024xf32, #tpu.memory_space<hbm>>
    %dma_start3A_165 = arith.constant 0 : i32
    %dma_start3A_166 = tpu.memref_slice %dma_start3A_164[%sub3A_42, %dma_start3A_165] : memref<2048x1024xf32, #tpu.memory_space<hbm>> -> memref<1x1024xf32, #tpu.memory_space<hbm>>
    tpu.enqueue_dma source(%dma_start3A_166 : memref<1x1024xf32, #tpu.memory_space<hbm>>) target(%dma_start3A_160 : memref<1x1024xf32, #tpu.memory_space<hbm>>) target_semaphore(%arg5 : memref<!tpu.dma_semaphore, #tpu.memory_space<semaphore_mem>>)
    %dma_start3A_167 = arith.constant 9 : i32
    %dma_start3A_168 = arith.constant 9 : i32
    %dma_start3A_169 = arith.constant 0 : i32
    %dma_start3A_170 = tpu.memref_slice %arg3[%dma_start3A_168, %dma_start3A_169] : memref<16x1024xf32, #tpu.memory_space<hbm>> -> memref<1x1024xf32, #tpu.memory_space<hbm>>
    %dma_start3A_171 = arith.constant 0 : i32
    %dma_start3A_172 = arith.constant 0 : i32
    %dma_start3A_173 = tpu.memref_slice %arg2[%dma_start3A_167, %dma_start3A_171, %dma_start3A_172] : memref<16x2048x1024xf32, #tpu.memory_space<hbm>> -> memref<1x2048x1024xf32, #tpu.memory_space<hbm>>
    %dma_start3A_174 = tpu.memref_squeeze %dma_start3A_173 : memref<1x2048x1024xf32, #tpu.memory_space<hbm>> -> memref<2048x1024xf32, #tpu.memory_space<hbm>>
    %dma_start3A_175 = arith.constant 0 : i32
    %dma_start3A_176 = tpu.memref_slice %dma_start3A_174[%sub3A_47, %dma_start3A_175] : memref<2048x1024xf32, #tpu.memory_space<hbm>> -> memref<1x1024xf32, #tpu.memory_space<hbm>>
    tpu.enqueue_dma source(%dma_start3A_176 : memref<1x1024xf32, #tpu.memory_space<hbm>>) target(%dma_start3A_170 : memref<1x1024xf32, #tpu.memory_space<hbm>>) target_semaphore(%arg5 : memref<!tpu.dma_semaphore, #tpu.memory_space<semaphore_mem>>)
    %dma_start3A_177 = arith.constant 10 : i32
    %dma_start3A_178 = arith.constant 10 : i32
    %dma_start3A_179 = arith.constant 0 : i32
    %dma_start3A_180 = tpu.memref_slice %arg3[%dma_start3A_178, %dma_start3A_179] : memref<16x1024xf32, #tpu.memory_space<hbm>> -> memref<1x1024xf32, #tpu.memory_space<hbm>>
    %dma_start3A_181 = arith.constant 0 : i32
    %dma_start3A_182 = arith.constant 0 : i32
    %dma_start3A_183 = tpu.memref_slice %arg2[%dma_start3A_177, %dma_start3A_181, %dma_start3A_182] : memref<16x2048x1024xf32, #tpu.memory_space<hbm>> -> memref<1x2048x1024xf32, #tpu.memory_space<hbm>>
    %dma_start3A_184 = tpu.memref_squeeze %dma_start3A_183 : memref<1x2048x1024xf32, #tpu.memory_space<hbm>> -> memref<2048x1024xf32, #tpu.memory_space<hbm>>
    %dma_start3A_185 = arith.constant 0 : i32
    %dma_start3A_186 = tpu.memref_slice %dma_start3A_184[%sub3A_52, %dma_start3A_185] : memref<2048x1024xf32, #tpu.memory_space<hbm>> -> memref<1x1024xf32, #tpu.memory_space<hbm>>
    tpu.enqueue_dma source(%dma_start3A_186 : memref<1x1024xf32, #tpu.memory_space<hbm>>) target(%dma_start3A_180 : memref<1x1024xf32, #tpu.memory_space<hbm>>) target_semaphore(%arg5 : memref<!tpu.dma_semaphore, #tpu.memory_space<semaphore_mem>>)
    %dma_start3A_187 = arith.constant 11 : i32
    %dma_start3A_188 = arith.constant 11 : i32
    %dma_start3A_189 = arith.constant 0 : i32
    %dma_start3A_190 = tpu.memref_slice %arg3[%dma_start3A_188, %dma_start3A_189] : memref<16x1024xf32, #tpu.memory_space<hbm>> -> memref<1x1024xf32, #tpu.memory_space<hbm>>
    %dma_start3A_191 = arith.constant 0 : i32
    %dma_start3A_192 = arith.constant 0 : i32
    %dma_start3A_193 = tpu.memref_slice %arg2[%dma_start3A_187, %dma_start3A_191, %dma_start3A_192] : memref<16x2048x1024xf32, #tpu.memory_space<hbm>> -> memref<1x2048x1024xf32, #tpu.memory_space<hbm>>
    %dma_start3A_194 = tpu.memref_squeeze %dma_start3A_193 : memref<1x2048x1024xf32, #tpu.memory_space<hbm>> -> memref<2048x1024xf32, #tpu.memory_space<hbm>>
    %dma_start3A_195 = arith.constant 0 : i32
    %dma_start3A_196 = tpu.memref_slice %dma_start3A_194[%sub3A_57, %dma_start3A_195] : memref<2048x1024xf32, #tpu.memory_space<hbm>> -> memref<1x1024xf32, #tpu.memory_space<hbm>>
    tpu.enqueue_dma source(%dma_start3A_196 : memref<1x1024xf32, #tpu.memory_space<hbm>>) target(%dma_start3A_190 : memref<1x1024xf32, #tpu.memory_space<hbm>>) target_semaphore(%arg5 : memref<!tpu.dma_semaphore, #tpu.memory_space<semaphore_mem>>)
    %dma_start3A_197 = arith.constant 12 : i32
    %dma_start3A_198 = arith.constant 12 : i32
    %dma_start3A_199 = arith.constant 0 : i32
    %dma_start3A_200 = tpu.memref_slice %arg3[%dma_start3A_198, %dma_start3A_199] : memref<16x1024xf32, #tpu.memory_space<hbm>> -> memref<1x1024xf32, #tpu.memory_space<hbm>>
    %dma_start3A_201 = arith.constant 0 : i32
    %dma_start3A_202 = arith.constant 0 : i32
    %dma_start3A_203 = tpu.memref_slice %arg2[%dma_start3A_197, %dma_start3A_201, %dma_start3A_202] : memref<16x2048x1024xf32, #tpu.memory_space<hbm>> -> memref<1x2048x1024xf32, #tpu.memory_space<hbm>>
    %dma_start3A_204 = tpu.memref_squeeze %dma_start3A_203 : memref<1x2048x1024xf32, #tpu.memory_space<hbm>> -> memref<2048x1024xf32, #tpu.memory_space<hbm>>
    %dma_start3A_205 = arith.constant 0 : i32
    %dma_start3A_206 = tpu.memref_slice %dma_start3A_204[%sub3A_62, %dma_start3A_205] : memref<2048x1024xf32, #tpu.memory_space<hbm>> -> memref<1x1024xf32, #tpu.memory_space<hbm>>
    tpu.enqueue_dma source(%dma_start3A_206 : memref<1x1024xf32, #tpu.memory_space<hbm>>) target(%dma_start3A_200 : memref<1x1024xf32, #tpu.memory_space<hbm>>) target_semaphore(%arg5 : memref<!tpu.dma_semaphore, #tpu.memory_space<semaphore_mem>>)
    %dma_start3A_207 = arith.constant 13 : i32
    %dma_start3A_208 = arith.constant 13 : i32
    %dma_start3A_209 = arith.constant 0 : i32
    %dma_start3A_210 = tpu.memref_slice %arg3[%dma_start3A_208, %dma_start3A_209] : memref<16x1024xf32, #tpu.memory_space<hbm>> -> memref<1x1024xf32, #tpu.memory_space<hbm>>
    %dma_start3A_211 = arith.constant 0 : i32
    %dma_start3A_212 = arith.constant 0 : i32
    %dma_start3A_213 = tpu.memref_slice %arg2[%dma_start3A_207, %dma_start3A_211, %dma_start3A_212] : memref<16x2048x1024xf32, #tpu.memory_space<hbm>> -> memref<1x2048x1024xf32, #tpu.memory_space<hbm>>
    %dma_start3A_214 = tpu.memref_squeeze %dma_start3A_213 : memref<1x2048x1024xf32, #tpu.memory_space<hbm>> -> memref<2048x1024xf32, #tpu.memory_space<hbm>>
    %dma_start3A_215 = arith.constant 0 : i32
    %dma_start3A_216 = tpu.memref_slice %dma_start3A_214[%sub3A_67, %dma_start3A_215] : memref<2048x1024xf32, #tpu.memory_space<hbm>> -> memref<1x1024xf32, #tpu.memory_space<hbm>>
    tpu.enqueue_dma source(%dma_start3A_216 : memref<1x1024xf32, #tpu.memory_space<hbm>>) target(%dma_start3A_210 : memref<1x1024xf32, #tpu.memory_space<hbm>>) target_semaphore(%arg5 : memref<!tpu.dma_semaphore, #tpu.memory_space<semaphore_mem>>)
    %dma_start3A_217 = arith.constant 14 : i32
    %dma_start3A_218 = arith.constant 14 : i32
    %dma_start3A_219 = arith.constant 0 : i32
    %dma_start3A_220 = tpu.memref_slice %arg3[%dma_start3A_218, %dma_start3A_219] : memref<16x1024xf32, #tpu.memory_space<hbm>> -> memref<1x1024xf32, #tpu.memory_space<hbm>>
    %dma_start3A_221 = arith.constant 0 : i32
    %dma_start3A_222 = arith.constant 0 : i32
    %dma_start3A_223 = tpu.memref_slice %arg2[%dma_start3A_217, %dma_start3A_221, %dma_start3A_222] : memref<16x2048x1024xf32, #tpu.memory_space<hbm>> -> memref<1x2048x1024xf32, #tpu.memory_space<hbm>>
    %dma_start3A_224 = tpu.memref_squeeze %dma_start3A_223 : memref<1x2048x1024xf32, #tpu.memory_space<hbm>> -> memref<2048x1024xf32, #tpu.memory_space<hbm>>
    %dma_start3A_225 = arith.constant 0 : i32
    %dma_start3A_226 = tpu.memref_slice %dma_start3A_224[%sub3A_72, %dma_start3A_225] : memref<2048x1024xf32, #tpu.memory_space<hbm>> -> memref<1x1024xf32, #tpu.memory_space<hbm>>
    tpu.enqueue_dma source(%dma_start3A_226 : memref<1x1024xf32, #tpu.memory_space<hbm>>) target(%dma_start3A_220 : memref<1x1024xf32, #tpu.memory_space<hbm>>) target_semaphore(%arg5 : memref<!tpu.dma_semaphore, #tpu.memory_space<semaphore_mem>>)
    %dma_start3A_227 = arith.constant 15 : i32
    %dma_start3A_228 = arith.constant 15 : i32
    %dma_start3A_229 = arith.constant 0 : i32
    %dma_start3A_230 = tpu.memref_slice %arg3[%dma_start3A_228, %dma_start3A_229] : memref<16x1024xf32, #tpu.memory_space<hbm>> -> memref<1x1024xf32, #tpu.memory_space<hbm>>
    %dma_start3A_231 = arith.constant 0 : i32
    %dma_start3A_232 = arith.constant 0 : i32
    %dma_start3A_233 = tpu.memref_slice %arg2[%dma_start3A_227, %dma_start3A_231, %dma_start3A_232] : memref<16x2048x1024xf32, #tpu.memory_space<hbm>> -> memref<1x2048x1024xf32, #tpu.memory_space<hbm>>
    %dma_start3A_234 = tpu.memref_squeeze %dma_start3A_233 : memref<1x2048x1024xf32, #tpu.memory_space<hbm>> -> memref<2048x1024xf32, #tpu.memory_space<hbm>>
    %dma_start3A_235 = arith.constant 0 : i32
    %dma_start3A_236 = tpu.memref_slice %dma_start3A_234[%sub3A_77, %dma_start3A_235] : memref<2048x1024xf32, #tpu.memory_space<hbm>> -> memref<1x1024xf32, #tpu.memory_space<hbm>>
    tpu.enqueue_dma source(%dma_start3A_236 : memref<1x1024xf32, #tpu.memory_space<hbm>>) target(%dma_start3A_230 : memref<1x1024xf32, #tpu.memory_space<hbm>>) target_semaphore(%arg5 : memref<!tpu.dma_semaphore, #tpu.memory_space<semaphore_mem>>)
    %dma_wait3A = arith.constant 0 : i32
    %dma_wait3A_237 = arith.constant 0 : i32
    %dma_wait3A_238 = arith.constant 0 : i32
    %dma_wait3A_239 = tpu.memref_slice %arg3[%dma_wait3A_237, %dma_wait3A_238] : memref<16x1024xf32, #tpu.memory_space<hbm>> -> memref<1x1024xf32, #tpu.memory_space<hbm>>
    %dma_wait3A_240 = arith.constant 0 : i32
    %dma_wait3A_241 = arith.constant 0 : i32
    %dma_wait3A_242 = tpu.memref_slice %arg2[%dma_wait3A, %dma_wait3A_240, %dma_wait3A_241] : memref<16x2048x1024xf32, #tpu.memory_space<hbm>> -> memref<1x2048x1024xf32, #tpu.memory_space<hbm>>
    %dma_wait3A_243 = tpu.memref_squeeze %dma_wait3A_242 : memref<1x2048x1024xf32, #tpu.memory_space<hbm>> -> memref<2048x1024xf32, #tpu.memory_space<hbm>>
    %dma_wait3A_244 = arith.constant 0 : i32
    %dma_wait3A_245 = tpu.memref_slice %dma_wait3A_243[%sub3A_2, %dma_wait3A_244] : memref<2048x1024xf32, #tpu.memory_space<hbm>> -> memref<1x1024xf32, #tpu.memory_space<hbm>>
    tpu.wait_dma2 semaphore(%arg5 : memref<!tpu.dma_semaphore, #tpu.memory_space<semaphore_mem>>) src(%dma_wait3A_245 : memref<1x1024xf32, #tpu.memory_space<hbm>>) dst(%dma_wait3A_239 : memref<1x1024xf32, #tpu.memory_space<hbm>>)
    %dma_wait3A_246 = arith.constant 1 : i32
    %dma_wait3A_247 = arith.constant 1 : i32
    %dma_wait3A_248 = arith.constant 0 : i32
    %dma_wait3A_249 = tpu.memref_slice %arg3[%dma_wait3A_247, %dma_wait3A_248] : memref<16x1024xf32, #tpu.memory_space<hbm>> -> memref<1x1024xf32, #tpu.memory_space<hbm>>
    %dma_wait3A_250 = arith.constant 0 : i32
    %dma_wait3A_251 = arith.constant 0 : i32
    %dma_wait3A_252 = tpu.memref_slice %arg2[%dma_wait3A_246, %dma_wait3A_250, %dma_wait3A_251] : memref<16x2048x1024xf32, #tpu.memory_space<hbm>> -> memref<1x2048x1024xf32, #tpu.memory_space<hbm>>
    %dma_wait3A_253 = tpu.memref_squeeze %dma_wait3A_252 : memref<1x2048x1024xf32, #tpu.memory_space<hbm>> -> memref<2048x1024xf32, #tpu.memory_space<hbm>>
    %dma_wait3A_254 = arith.constant 0 : i32
    %dma_wait3A_255 = tpu.memref_slice %dma_wait3A_253[%sub3A_7, %dma_wait3A_254] : memref<2048x1024xf32, #tpu.memory_space<hbm>> -> memref<1x1024xf32, #tpu.memory_space<hbm>>
    tpu.wait_dma2 semaphore(%arg5 : memref<!tpu.dma_semaphore, #tpu.memory_space<semaphore_mem>>) src(%dma_wait3A_255 : memref<1x1024xf32, #tpu.memory_space<hbm>>) dst(%dma_wait3A_249 : memref<1x1024xf32, #tpu.memory_space<hbm>>)
    %dma_wait3A_256 = arith.constant 2 : i32
    %dma_wait3A_257 = arith.constant 2 : i32
    %dma_wait3A_258 = arith.constant 0 : i32
    %dma_wait3A_259 = tpu.memref_slice %arg3[%dma_wait3A_257, %dma_wait3A_258] : memref<16x1024xf32, #tpu.memory_space<hbm>> -> memref<1x1024xf32, #tpu.memory_space<hbm>>
    %dma_wait3A_260 = arith.constant 0 : i32
    %dma_wait3A_261 = arith.constant 0 : i32
    %dma_wait3A_262 = tpu.memref_slice %arg2[%dma_wait3A_256, %dma_wait3A_260, %dma_wait3A_261] : memref<16x2048x1024xf32, #tpu.memory_space<hbm>> -> memref<1x2048x1024xf32, #tpu.memory_space<hbm>>
    %dma_wait3A_263 = tpu.memref_squeeze %dma_wait3A_262 : memref<1x2048x1024xf32, #tpu.memory_space<hbm>> -> memref<2048x1024xf32, #tpu.memory_space<hbm>>
    %dma_wait3A_264 = arith.constant 0 : i32
    %dma_wait3A_265 = tpu.memref_slice %dma_wait3A_263[%sub3A_12, %dma_wait3A_264] : memref<2048x1024xf32, #tpu.memory_space<hbm>> -> memref<1x1024xf32, #tpu.memory_space<hbm>>
    tpu.wait_dma2 semaphore(%arg5 : memref<!tpu.dma_semaphore, #tpu.memory_space<semaphore_mem>>) src(%dma_wait3A_265 : memref<1x1024xf32, #tpu.memory_space<hbm>>) dst(%dma_wait3A_259 : memref<1x1024xf32, #tpu.memory_space<hbm>>)
    %dma_wait3A_266 = arith.constant 3 : i32
    %dma_wait3A_267 = arith.constant 3 : i32
    %dma_wait3A_268 = arith.constant 0 : i32
    %dma_wait3A_269 = tpu.memref_slice %arg3[%dma_wait3A_267, %dma_wait3A_268] : memref<16x1024xf32, #tpu.memory_space<hbm>> -> memref<1x1024xf32, #tpu.memory_space<hbm>>
    %dma_wait3A_270 = arith.constant 0 : i32
    %dma_wait3A_271 = arith.constant 0 : i32
    %dma_wait3A_272 = tpu.memref_slice %arg2[%dma_wait3A_266, %dma_wait3A_270, %dma_wait3A_271] : memref<16x2048x1024xf32, #tpu.memory_space<hbm>> -> memref<1x2048x1024xf32, #tpu.memory_space<hbm>>
    %dma_wait3A_273 = tpu.memref_squeeze %dma_wait3A_272 : memref<1x2048x1024xf32, #tpu.memory_space<hbm>> -> memref<2048x1024xf32, #tpu.memory_space<hbm>>
    %dma_wait3A_274 = arith.constant 0 : i32
    %dma_wait3A_275 = tpu.memref_slice %dma_wait3A_273[%sub3A_17, %dma_wait3A_274] : memref<2048x1024xf32, #tpu.memory_space<hbm>> -> memref<1x1024xf32, #tpu.memory_space<hbm>>
    tpu.wait_dma2 semaphore(%arg5 : memref<!tpu.dma_semaphore, #tpu.memory_space<semaphore_mem>>) src(%dma_wait3A_275 : memref<1x1024xf32, #tpu.memory_space<hbm>>) dst(%dma_wait3A_269 : memref<1x1024xf32, #tpu.memory_space<hbm>>)
    %dma_wait3A_276 = arith.constant 4 : i32
    %dma_wait3A_277 = arith.constant 4 : i32
    %dma_wait3A_278 = arith.constant 0 : i32
    %dma_wait3A_279 = tpu.memref_slice %arg3[%dma_wait3A_277, %dma_wait3A_278] : memref<16x1024xf32, #tpu.memory_space<hbm>> -> memref<1x1024xf32, #tpu.memory_space<hbm>>
    %dma_wait3A_280 = arith.constant 0 : i32
    %dma_wait3A_281 = arith.constant 0 : i32
    %dma_wait3A_282 = tpu.memref_slice %arg2[%dma_wait3A_276, %dma_wait3A_280, %dma_wait3A_281] : memref<16x2048x1024xf32, #tpu.memory_space<hbm>> -> memref<1x2048x1024xf32, #tpu.memory_space<hbm>>
    %dma_wait3A_283 = tpu.memref_squeeze %dma_wait3A_282 : memref<1x2048x1024xf32, #tpu.memory_space<hbm>> -> memref<2048x1024xf32, #tpu.memory_space<hbm>>
    %dma_wait3A_284 = arith.constant 0 : i32
    %dma_wait3A_285 = tpu.memref_slice %dma_wait3A_283[%sub3A_22, %dma_wait3A_284] : memref<2048x1024xf32, #tpu.memory_space<hbm>> -> memref<1x1024xf32, #tpu.memory_space<hbm>>
    tpu.wait_dma2 semaphore(%arg5 : memref<!tpu.dma_semaphore, #tpu.memory_space<semaphore_mem>>) src(%dma_wait3A_285 : memref<1x1024xf32, #tpu.memory_space<hbm>>) dst(%dma_wait3A_279 : memref<1x1024xf32, #tpu.memory_space<hbm>>)
    %dma_wait3A_286 = arith.constant 5 : i32
    %dma_wait3A_287 = arith.constant 5 : i32
    %dma_wait3A_288 = arith.constant 0 : i32
    %dma_wait3A_289 = tpu.memref_slice %arg3[%dma_wait3A_287, %dma_wait3A_288] : memref<16x1024xf32, #tpu.memory_space<hbm>> -> memref<1x1024xf32, #tpu.memory_space<hbm>>
    %dma_wait3A_290 = arith.constant 0 : i32
    %dma_wait3A_291 = arith.constant 0 : i32
    %dma_wait3A_292 = tpu.memref_slice %arg2[%dma_wait3A_286, %dma_wait3A_290, %dma_wait3A_291] : memref<16x2048x1024xf32, #tpu.memory_space<hbm>> -> memref<1x2048x1024xf32, #tpu.memory_space<hbm>>
    %dma_wait3A_293 = tpu.memref_squeeze %dma_wait3A_292 : memref<1x2048x1024xf32, #tpu.memory_space<hbm>> -> memref<2048x1024xf32, #tpu.memory_space<hbm>>
    %dma_wait3A_294 = arith.constant 0 : i32
    %dma_wait3A_295 = tpu.memref_slice %dma_wait3A_293[%sub3A_27, %dma_wait3A_294] : memref<2048x1024xf32, #tpu.memory_space<hbm>> -> memref<1x1024xf32, #tpu.memory_space<hbm>>
    tpu.wait_dma2 semaphore(%arg5 : memref<!tpu.dma_semaphore, #tpu.memory_space<semaphore_mem>>) src(%dma_wait3A_295 : memref<1x1024xf32, #tpu.memory_space<hbm>>) dst(%dma_wait3A_289 : memref<1x1024xf32, #tpu.memory_space<hbm>>)
    %dma_wait3A_296 = arith.constant 6 : i32
    %dma_wait3A_297 = arith.constant 6 : i32
    %dma_wait3A_298 = arith.constant 0 : i32
    %dma_wait3A_299 = tpu.memref_slice %arg3[%dma_wait3A_297, %dma_wait3A_298] : memref<16x1024xf32, #tpu.memory_space<hbm>> -> memref<1x1024xf32, #tpu.memory_space<hbm>>
    %dma_wait3A_300 = arith.constant 0 : i32
    %dma_wait3A_301 = arith.constant 0 : i32
    %dma_wait3A_302 = tpu.memref_slice %arg2[%dma_wait3A_296, %dma_wait3A_300, %dma_wait3A_301] : memref<16x2048x1024xf32, #tpu.memory_space<hbm>> -> memref<1x2048x1024xf32, #tpu.memory_space<hbm>>
    %dma_wait3A_303 = tpu.memref_squeeze %dma_wait3A_302 : memref<1x2048x1024xf32, #tpu.memory_space<hbm>> -> memref<2048x1024xf32, #tpu.memory_space<hbm>>
    %dma_wait3A_304 = arith.constant 0 : i32
    %dma_wait3A_305 = tpu.memref_slice %dma_wait3A_303[%sub3A_32, %dma_wait3A_304] : memref<2048x1024xf32, #tpu.memory_space<hbm>> -> memref<1x1024xf32, #tpu.memory_space<hbm>>
    tpu.wait_dma2 semaphore(%arg5 : memref<!tpu.dma_semaphore, #tpu.memory_space<semaphore_mem>>) src(%dma_wait3A_305 : memref<1x1024xf32, #tpu.memory_space<hbm>>) dst(%dma_wait3A_299 : memref<1x1024xf32, #tpu.memory_space<hbm>>)
    %dma_wait3A_306 = arith.constant 7 : i32
    %dma_wait3A_307 = arith.constant 7 : i32
    %dma_wait3A_308 = arith.constant 0 : i32
    %dma_wait3A_309 = tpu.memref_slice %arg3[%dma_wait3A_307, %dma_wait3A_308] : memref<16x1024xf32, #tpu.memory_space<hbm>> -> memref<1x1024xf32, #tpu.memory_space<hbm>>
    %dma_wait3A_310 = arith.constant 0 : i32
    %dma_wait3A_311 = arith.constant 0 : i32
    %dma_wait3A_312 = tpu.memref_slice %arg2[%dma_wait3A_306, %dma_wait3A_310, %dma_wait3A_311] : memref<16x2048x1024xf32, #tpu.memory_space<hbm>> -> memref<1x2048x1024xf32, #tpu.memory_space<hbm>>
    %dma_wait3A_313 = tpu.memref_squeeze %dma_wait3A_312 : memref<1x2048x1024xf32, #tpu.memory_space<hbm>> -> memref<2048x1024xf32, #tpu.memory_space<hbm>>
    %dma_wait3A_314 = arith.constant 0 : i32
    %dma_wait3A_315 = tpu.memref_slice %dma_wait3A_313[%sub3A_37, %dma_wait3A_314] : memref<2048x1024xf32, #tpu.memory_space<hbm>> -> memref<1x1024xf32, #tpu.memory_space<hbm>>
    tpu.wait_dma2 semaphore(%arg5 : memref<!tpu.dma_semaphore, #tpu.memory_space<semaphore_mem>>) src(%dma_wait3A_315 : memref<1x1024xf32, #tpu.memory_space<hbm>>) dst(%dma_wait3A_309 : memref<1x1024xf32, #tpu.memory_space<hbm>>)
    %dma_wait3A_316 = arith.constant 8 : i32
    %dma_wait3A_317 = arith.constant 8 : i32
    %dma_wait3A_318 = arith.constant 0 : i32
    %dma_wait3A_319 = tpu.memref_slice %arg3[%dma_wait3A_317, %dma_wait3A_318] : memref<16x1024xf32, #tpu.memory_space<hbm>> -> memref<1x1024xf32, #tpu.memory_space<hbm>>
    %dma_wait3A_320 = arith.constant 0 : i32
    %dma_wait3A_321 = arith.constant 0 : i32
    %dma_wait3A_322 = tpu.memref_slice %arg2[%dma_wait3A_316, %dma_wait3A_320, %dma_wait3A_321] : memref<16x2048x1024xf32, #tpu.memory_space<hbm>> -> memref<1x2048x1024xf32, #tpu.memory_space<hbm>>
    %dma_wait3A_323 = tpu.memref_squeeze %dma_wait3A_322 : memref<1x2048x1024xf32, #tpu.memory_space<hbm>> -> memref<2048x1024xf32, #tpu.memory_space<hbm>>
    %dma_wait3A_324 = arith.constant 0 : i32
    %dma_wait3A_325 = tpu.memref_slice %dma_wait3A_323[%sub3A_42, %dma_wait3A_324] : memref<2048x1024xf32, #tpu.memory_space<hbm>> -> memref<1x1024xf32, #tpu.memory_space<hbm>>
    tpu.wait_dma2 semaphore(%arg5 : memref<!tpu.dma_semaphore, #tpu.memory_space<semaphore_mem>>) src(%dma_wait3A_325 : memref<1x1024xf32, #tpu.memory_space<hbm>>) dst(%dma_wait3A_319 : memref<1x1024xf32, #tpu.memory_space<hbm>>)
    %dma_wait3A_326 = arith.constant 9 : i32
    %dma_wait3A_327 = arith.constant 9 : i32
    %dma_wait3A_328 = arith.constant 0 : i32
    %dma_wait3A_329 = tpu.memref_slice %arg3[%dma_wait3A_327, %dma_wait3A_328] : memref<16x1024xf32, #tpu.memory_space<hbm>> -> memref<1x1024xf32, #tpu.memory_space<hbm>>
    %dma_wait3A_330 = arith.constant 0 : i32
    %dma_wait3A_331 = arith.constant 0 : i32
    %dma_wait3A_332 = tpu.memref_slice %arg2[%dma_wait3A_326, %dma_wait3A_330, %dma_wait3A_331] : memref<16x2048x1024xf32, #tpu.memory_space<hbm>> -> memref<1x2048x1024xf32, #tpu.memory_space<hbm>>
    %dma_wait3A_333 = tpu.memref_squeeze %dma_wait3A_332 : memref<1x2048x1024xf32, #tpu.memory_space<hbm>> -> memref<2048x1024xf32, #tpu.memory_space<hbm>>
    %dma_wait3A_334 = arith.constant 0 : i32
    %dma_wait3A_335 = tpu.memref_slice %dma_wait3A_333[%sub3A_47, %dma_wait3A_334] : memref<2048x1024xf32, #tpu.memory_space<hbm>> -> memref<1x1024xf32, #tpu.memory_space<hbm>>
    tpu.wait_dma2 semaphore(%arg5 : memref<!tpu.dma_semaphore, #tpu.memory_space<semaphore_mem>>) src(%dma_wait3A_335 : memref<1x1024xf32, #tpu.memory_space<hbm>>) dst(%dma_wait3A_329 : memref<1x1024xf32, #tpu.memory_space<hbm>>)
    %dma_wait3A_336 = arith.constant 10 : i32
    %dma_wait3A_337 = arith.constant 10 : i32
    %dma_wait3A_338 = arith.constant 0 : i32
    %dma_wait3A_339 = tpu.memref_slice %arg3[%dma_wait3A_337, %dma_wait3A_338] : memref<16x1024xf32, #tpu.memory_space<hbm>> -> memref<1x1024xf32, #tpu.memory_space<hbm>>
    %dma_wait3A_340 = arith.constant 0 : i32
    %dma_wait3A_341 = arith.constant 0 : i32
    %dma_wait3A_342 = tpu.memref_slice %arg2[%dma_wait3A_336, %dma_wait3A_340, %dma_wait3A_341] : memref<16x2048x1024xf32, #tpu.memory_space<hbm>> -> memref<1x2048x1024xf32, #tpu.memory_space<hbm>>
    %dma_wait3A_343 = tpu.memref_squeeze %dma_wait3A_342 : memref<1x2048x1024xf32, #tpu.memory_space<hbm>> -> memref<2048x1024xf32, #tpu.memory_space<hbm>>
    %dma_wait3A_344 = arith.constant 0 : i32
    %dma_wait3A_345 = tpu.memref_slice %dma_wait3A_343[%sub3A_52, %dma_wait3A_344] : memref<2048x1024xf32, #tpu.memory_space<hbm>> -> memref<1x1024xf32, #tpu.memory_space<hbm>>
    tpu.wait_dma2 semaphore(%arg5 : memref<!tpu.dma_semaphore, #tpu.memory_space<semaphore_mem>>) src(%dma_wait3A_345 : memref<1x1024xf32, #tpu.memory_space<hbm>>) dst(%dma_wait3A_339 : memref<1x1024xf32, #tpu.memory_space<hbm>>)
    %dma_wait3A_346 = arith.constant 11 : i32
    %dma_wait3A_347 = arith.constant 11 : i32
    %dma_wait3A_348 = arith.constant 0 : i32
    %dma_wait3A_349 = tpu.memref_slice %arg3[%dma_wait3A_347, %dma_wait3A_348] : memref<16x1024xf32, #tpu.memory_space<hbm>> -> memref<1x1024xf32, #tpu.memory_space<hbm>>
    %dma_wait3A_350 = arith.constant 0 : i32
    %dma_wait3A_351 = arith.constant 0 : i32
    %dma_wait3A_352 = tpu.memref_slice %arg2[%dma_wait3A_346, %dma_wait3A_350, %dma_wait3A_351] : memref<16x2048x1024xf32, #tpu.memory_space<hbm>> -> memref<1x2048x1024xf32, #tpu.memory_space<hbm>>
    %dma_wait3A_353 = tpu.memref_squeeze %dma_wait3A_352 : memref<1x2048x1024xf32, #tpu.memory_space<hbm>> -> memref<2048x1024xf32, #tpu.memory_space<hbm>>
    %dma_wait3A_354 = arith.constant 0 : i32
    %dma_wait3A_355 = tpu.memref_slice %dma_wait3A_353[%sub3A_57, %dma_wait3A_354] : memref<2048x1024xf32, #tpu.memory_space<hbm>> -> memref<1x1024xf32, #tpu.memory_space<hbm>>
    tpu.wait_dma2 semaphore(%arg5 : memref<!tpu.dma_semaphore, #tpu.memory_space<semaphore_mem>>) src(%dma_wait3A_355 : memref<1x1024xf32, #tpu.memory_space<hbm>>) dst(%dma_wait3A_349 : memref<1x1024xf32, #tpu.memory_space<hbm>>)
    %dma_wait3A_356 = arith.constant 12 : i32
    %dma_wait3A_357 = arith.constant 12 : i32
    %dma_wait3A_358 = arith.constant 0 : i32
    %dma_wait3A_359 = tpu.memref_slice %arg3[%dma_wait3A_357, %dma_wait3A_358] : memref<16x1024xf32, #tpu.memory_space<hbm>> -> memref<1x1024xf32, #tpu.memory_space<hbm>>
    %dma_wait3A_360 = arith.constant 0 : i32
    %dma_wait3A_361 = arith.constant 0 : i32
    %dma_wait3A_362 = tpu.memref_slice %arg2[%dma_wait3A_356, %dma_wait3A_360, %dma_wait3A_361] : memref<16x2048x1024xf32, #tpu.memory_space<hbm>> -> memref<1x2048x1024xf32, #tpu.memory_space<hbm>>
    %dma_wait3A_363 = tpu.memref_squeeze %dma_wait3A_362 : memref<1x2048x1024xf32, #tpu.memory_space<hbm>> -> memref<2048x1024xf32, #tpu.memory_space<hbm>>
    %dma_wait3A_364 = arith.constant 0 : i32
    %dma_wait3A_365 = tpu.memref_slice %dma_wait3A_363[%sub3A_62, %dma_wait3A_364] : memref<2048x1024xf32, #tpu.memory_space<hbm>> -> memref<1x1024xf32, #tpu.memory_space<hbm>>
    tpu.wait_dma2 semaphore(%arg5 : memref<!tpu.dma_semaphore, #tpu.memory_space<semaphore_mem>>) src(%dma_wait3A_365 : memref<1x1024xf32, #tpu.memory_space<hbm>>) dst(%dma_wait3A_359 : memref<1x1024xf32, #tpu.memory_space<hbm>>)
    %dma_wait3A_366 = arith.constant 13 : i32
    %dma_wait3A_367 = arith.constant 13 : i32
    %dma_wait3A_368 = arith.constant 0 : i32
    %dma_wait3A_369 = tpu.memref_slice %arg3[%dma_wait3A_367, %dma_wait3A_368] : memref<16x1024xf32, #tpu.memory_space<hbm>> -> memref<1x1024xf32, #tpu.memory_space<hbm>>
    %dma_wait3A_370 = arith.constant 0 : i32
    %dma_wait3A_371 = arith.constant 0 : i32
    %dma_wait3A_372 = tpu.memref_slice %arg2[%dma_wait3A_366, %dma_wait3A_370, %dma_wait3A_371] : memref<16x2048x1024xf32, #tpu.memory_space<hbm>> -> memref<1x2048x1024xf32, #tpu.memory_space<hbm>>
    %dma_wait3A_373 = tpu.memref_squeeze %dma_wait3A_372 : memref<1x2048x1024xf32, #tpu.memory_space<hbm>> -> memref<2048x1024xf32, #tpu.memory_space<hbm>>
    %dma_wait3A_374 = arith.constant 0 : i32
    %dma_wait3A_375 = tpu.memref_slice %dma_wait3A_373[%sub3A_67, %dma_wait3A_374] : memref<2048x1024xf32, #tpu.memory_space<hbm>> -> memref<1x1024xf32, #tpu.memory_space<hbm>>
    tpu.wait_dma2 semaphore(%arg5 : memref<!tpu.dma_semaphore, #tpu.memory_space<semaphore_mem>>) src(%dma_wait3A_375 : memref<1x1024xf32, #tpu.memory_space<hbm>>) dst(%dma_wait3A_369 : memref<1x1024xf32, #tpu.memory_space<hbm>>)
    %dma_wait3A_376 = arith.constant 14 : i32
    %dma_wait3A_377 = arith.constant 14 : i32
    %dma_wait3A_378 = arith.constant 0 : i32
    %dma_wait3A_379 = tpu.memref_slice %arg3[%dma_wait3A_377, %dma_wait3A_378] : memref<16x1024xf32, #tpu.memory_space<hbm>> -> memref<1x1024xf32, #tpu.memory_space<hbm>>
    %dma_wait3A_380 = arith.constant 0 : i32
    %dma_wait3A_381 = arith.constant 0 : i32
    %dma_wait3A_382 = tpu.memref_slice %arg2[%dma_wait3A_376, %dma_wait3A_380, %dma_wait3A_381] : memref<16x2048x1024xf32, #tpu.memory_space<hbm>> -> memref<1x2048x1024xf32, #tpu.memory_space<hbm>>
    %dma_wait3A_383 = tpu.memref_squeeze %dma_wait3A_382 : memref<1x2048x1024xf32, #tpu.memory_space<hbm>> -> memref<2048x1024xf32, #tpu.memory_space<hbm>>
    %dma_wait3A_384 = arith.constant 0 : i32
    %dma_wait3A_385 = tpu.memref_slice %dma_wait3A_383[%sub3A_72, %dma_wait3A_384] : memref<2048x1024xf32, #tpu.memory_space<hbm>> -> memref<1x1024xf32, #tpu.memory_space<hbm>>
    tpu.wait_dma2 semaphore(%arg5 : memref<!tpu.dma_semaphore, #tpu.memory_space<semaphore_mem>>) src(%dma_wait3A_385 : memref<1x1024xf32, #tpu.memory_space<hbm>>) dst(%dma_wait3A_379 : memref<1x1024xf32, #tpu.memory_space<hbm>>)
    %dma_wait3A_386 = arith.constant 15 : i32
    %dma_wait3A_387 = arith.constant 15 : i32
    %dma_wait3A_388 = arith.constant 0 : i32
    %dma_wait3A_389 = tpu.memref_slice %arg3[%dma_wait3A_387, %dma_wait3A_388] : memref<16x1024xf32, #tpu.memory_space<hbm>> -> memref<1x1024xf32, #tpu.memory_space<hbm>>
    %dma_wait3A_390 = arith.constant 0 : i32
    %dma_wait3A_391 = arith.constant 0 : i32
    %dma_wait3A_392 = tpu.memref_slice %arg2[%dma_wait3A_386, %dma_wait3A_390, %dma_wait3A_391] : memref<16x2048x1024xf32, #tpu.memory_space<hbm>> -> memref<1x2048x1024xf32, #tpu.memory_space<hbm>>
    %dma_wait3A_393 = tpu.memref_squeeze %dma_wait3A_392 : memref<1x2048x1024xf32, #tpu.memory_space<hbm>> -> memref<2048x1024xf32, #tpu.memory_space<hbm>>
    %dma_wait3A_394 = arith.constant 0 : i32
    %dma_wait3A_395 = tpu.memref_slice %dma_wait3A_393[%sub3A_77, %dma_wait3A_394] : memref<2048x1024xf32, #tpu.memory_space<hbm>> -> memref<1x1024xf32, #tpu.memory_space<hbm>>
    tpu.wait_dma2 semaphore(%arg5 : memref<!tpu.dma_semaphore, #tpu.memory_space<semaphore_mem>>) src(%dma_wait3A_395 : memref<1x1024xf32, #tpu.memory_space<hbm>>) dst(%dma_wait3A_389 : memref<1x1024xf32, #tpu.memory_space<hbm>>)
    return
  }
}

</mosaic_0001>

<sc_bundles>
// kernel: kernel.3.cloned.1.call-start
scs
__scs_entry_jumppad:
0x0: {  	(pc) =	sbr.rel $0x88, $3  }
0x1: {  	(tag) =	ssettag $0x0;
	lr =	simm.s32 $0x1  }
0x2: {  	[smem:$0x3F9F] =	sst lr;
	_ =	strace $0xD0000000  }
0x3: {  	_ = 	snop  }
0x4: {  	_ = 	snop  }
0x5: {  	_ = 	snop  }
0x6: {  	_ = 	snop  }
0x7: {  	_ = 	snop  }
__scs_overlays_trampoline_lowered:
0x8: {  	[smem:$0x3FAE] =	sst s0  }
0x9: {  	[smem:$0x3FAF] =	sst s1  }
0xa: {  	[smem:$0x3FB0] =	sst s2  }
0xb: {  	[smem:$0x3FB1] =	sst s3  }
0xc: {  	[smem:$0x3FB2] =	sst s4  }
0xd: {  	[smem:$0x3FB3] =	sst s5  }
0xe: {  	[smem:$0x3FB4] =	sst s6  }
0xf: {  	[smem:$0x3FB5] =	sst s7  }
0x10: {  	[smem:$0x3FB6] =	sst s8  }
0x11: {  	[smem:$0x3FB7] =	sst s9;
	s0 =	simm.s32 @!p0 $0x0  }
0x12: {  	s1 =	sld [smem:$0x3F9D];
	s0 =	simm.s32 @p0 $0x1  }
0x13: {  	[smem:$0x3FB8] =	sst s0;
	s0 =	simm.s32 @!p1 $0x0  }
0x14: {  	s2 =	sld [smem:$0x3F9C];
	s0 =	simm.s32 @p1 $0x1  }
0x15: {  	[smem:$0x3FB9] =	sst s0;
	s0 =	simm.s32 @!p2 $0x0  }
0x16: {  	s3 =	sld [smem:$0x3FDB];
	s0 =	simm.s32 @p2 $0x1  }
0x17: {  	s4 =	simm.s32 $0x1BF5;
	[smem:$0x3FBB] =	sst s0  }
0x18: {  	s0 =	sld [smem:$0x3F9E];
	_ =	swait.ge [sflag:s4], $0x0  }
0x19: {  	s7 =	sld [smem:$0x3F9F]  }
0x1a: {  	s8 =	sadd.s32 $0xFFFFE003, lr  }
0x1b: {  	s9 =	sadd.s32 $0xFFFFFEF7, lr;
	s5 =	simm.s32 $0xFFFFFFFF;
	p2 =	slt.u32 s8, $0xFFFFF086  }
0x1c: {  	p1 =	slt.u32 s9, $0xF7A;
	s5 =	simm.s32 @!p2 $0x0  }
0x1d: {  	s5 =	simm.s32 @p1 $0x1;
	p0 =	seq.s32 s7, s2  }
0x1e: {  	s7 =	smul.u32 @!p0 $0xF7A, s2;
	p2 =	seq.s32 @!p0 s5, $0x0  }
0x1f: {  	s9 =	smul.u32 $0xF7A, s1;
	s8 =	simm.s32 @!p0 $0x1BF5;
	p2 =	por !p2, p0  }
0x20: {  	[sflag:s8] =	ssyncset.s32 @!p0 $0xFFFFF086;
	s6 =	sadd.s32 @!p0 s3, s7;
	s7 =	simm.s32 @!p0 $0x108  }
0x21: {  	s3 =	sadd.s32 s3, s9;
	s6 =	sadd.s32 @!p0 $0x88, s6;
	s7 =	simm.s32 @p2 $0x1082  }
0x22: {  	[simem:s7], [sflag:s8] =	dma.local @!p0 [hbm:s6], $0xF7A  }
0x23: {  	s9 =	sor.u32 $0xD0000000, s2;
	s6 =	simm.s32 $0x108;
	_ =	swait.ge @!p0 [sflag:s8], $0x0  }
0x24: {  	s3 =	sadd.s32 $0x88, s3;
	s6 =	simm.s32 @!p1 $0x1082;
	[sflag:s4] =	ssyncset.s32 $0xFFFFF086  }
0x25: {  	[simem:s6], [sflag:s4] =	dma.local [hbm:s3], $0xF7A  }
0x26: {  	[smem:$0x3F9F] =	sst s1;
	(tag) =	ssettag s2;
	_ =	strace s9  }
0x27: {  	s1 =	sld [smem:$0x3FAF]  }
0x28: {  	s2 =	sld [smem:$0x3FB0]  }
0x29: {  	s4 =	sld [smem:$0x3FB2]  }
0x2a: {  	p0 =	seq.s32 s5, $0x0;
	s5 =	sld [smem:$0x3FB3]  }
0x2b: {  	s6 =	sld [smem:$0x3FB4]  }
0x2c: {  	s7 =	sld [smem:$0x3FB5]  }
0x2d: {  	s3 =	simm.s32 $0x108;
	s8 =	sld [smem:$0x3FB6]  }
0x2e: {  	s3 =	simm.s32 @!p0 $0x1082;
	s9 =	sld [smem:$0x3FB7]  }
0x2f: {  	lr =	sadd.s32 s0, s3;
	s0 =	sld [smem:$0x3FAE]  }
0x30: {  	s3 =	sld [smem:$0x3FB1]  }
0x31: {  	[smem:$0x3FBA] =	sst s10  }
0x32: {  	s10 =	sld [smem:$0x3FB8];
	_ =	sdelay $0x3  }
0x33: {  	p0 =	seq.s32 s10, $0x1;
	s10 =	sld [smem:$0x3FBA];
	_ =	sdelay $0x3  }
0x34: {  	[smem:$0x3FBA] =	sst s10  }
0x35: {  	s10 =	sld [smem:$0x3FB9];
	_ =	sdelay $0x3  }
0x36: {  	p1 =	seq.s32 s10, $0x1;
	s10 =	sld [smem:$0x3FBA];
	_ =	sdelay $0x3  }
0x37: {  	[smem:$0x3FBA] =	sst s10  }
0x38: {  	s10 =	sld [smem:$0x3FBB]  }
0x39: {  	_ = 	snop;
	(pc) =	sbr.ind lr, $3  }
0x3a: {  	_ = 	snop  }
0x3b: {  	_ = 	snop  }
0x3c: {  	p2 =	seq.s32 s10, $0x1;
	s10 =	sld [smem:$0x3FBA]  }
0x3d: {  	_ =	shalt  }
0x3e: {  	_ =	shalt  }
0x3f: {  	_ =	shalt  }
0x40: {  	_ =	shalt  }
0x41: {  	_ =	shalt  }
0x42: {  	_ =	shalt  }
0x43: {  	_ =	shalt  }
0x44: {  	_ =	shalt  }
0x45: {  	_ =	shalt  }
0x46: {  	_ =	shalt  }
0x47: {  	_ =	shalt  }
0x48: {  	_ =	shalt  }
0x49: {  	_ =	shalt  }
0x4a: {  	_ =	shalt  }
0x4b: {  	_ =	shalt  }
0x4c: {  	_ =	shalt  }
0x4d: {  	_ =	shalt  }
0x4e: {  	_ =	shalt  }
0x4f: {  	_ =	shalt  }
0x50: {  	_ =	shalt  }
0x51: {  	_ =	shalt  }
0x52: {  	_ =	shalt  }
0x53: {  	_ =	shalt  }
0x54: {  	_ =	shalt  }
0x55: {  	_ =	shalt  }
0x56: {  	_ =	shalt  }
0x57: {  	_ =	shalt  }
0x58: {  	_ =	shalt  }
0x59: {  	_ =	shalt  }
0x5a: {  	_ =	shalt  }
0x5b: {  	_ =	shalt  }
0x5c: {  	_ =	shalt  }
0x5d: {  	_ =	shalt  }
0x5e: {  	_ =	shalt  }
0x5f: {  	_ =	shalt  }
0x60: {  	_ =	shalt  }
0x61: {  	_ =	shalt  }
0x62: {  	_ =	shalt  }
0x63: {  	_ =	shalt  }
0x64: {  	_ =	shalt  }
0x65: {  	_ =	shalt  }
0x66: {  	_ =	shalt  }
0x67: {  	_ =	shalt  }
0x68: {  	_ =	shalt  }
0x69: {  	_ =	shalt  }
0x6a: {  	_ =	shalt  }
0x6b: {  	_ =	shalt  }
0x6c: {  	_ =	shalt  }
0x6d: {  	_ =	shalt  }
0x6e: {  	_ =	shalt  }
0x6f: {  	_ =	shalt  }
0x70: {  	_ =	shalt  }
0x71: {  	_ =	shalt  }
0x72: {  	_ =	shalt  }
0x73: {  	_ =	shalt  }
0x74: {  	_ =	shalt  }
0x75: {  	_ =	shalt  }
0x76: {  	_ =	shalt  }
0x77: {  	_ =	shalt  }
0x78: {  	_ =	shalt  }
0x79: {  	_ =	shalt  }
0x7a: {  	_ =	shalt  }
0x7b: {  	_ =	shalt  }
0x7c: {  	_ =	shalt  }
0x7d: {  	_ =	shalt  }
0x7e: {  	_ =	shalt  }
0x7f: {  	_ =	shalt  }
0x80: {  	_ =	shalt  }
0x81: {  	_ =	shalt  }
0x82: {  	_ =	shalt  }
0x83: {  	_ =	shalt  }
0x84: {  	_ =	shalt  }
0x85: {  	_ =	shalt  }
0x86: {  	_ =	shalt  }
0x87: {  	_ =	shalt  }
.Lfunc_end0:
.L_simem_size_0:
called_computation_lowered:
.L_overlay_start_0:
0x88: {  	s0 =	sld [smem:$0x3FD9]  }
0x89: {  	s1 =	sld [smem:$0x3FFE];
	_ =	sdelay $0x3  }
0x8a: {  	s0 =	sadd.s32 s1, s0  }
0x8b: {  	s3 =	simm.s32 $0x0;
	[smem:$0x3FC6] =	sst s0  }
0x8c: {  	[smem:$0xF] =	sst s3  }
0x8d: {  	s0 =	sld [smem:$0x3FC9]  }
0x8e: {  	s2 =	sld [smem:$0x3FC8]  }
0x8f: {  	s1 =	sld [smem:$0x3FD0];
	(tm) =	ssettm $0x1  }
0x90: {  	s20 =	sld [smem:$0x3FFB];
	_ =	sdelay $0x3  }
0x91: {  	_ =	strace s20  }
0x92: {  	s3 =	sld [smem:$0x3FFC];
	_ =	sdelay $0x3  }
0x93: {  	_ =	strace s3  }
0x94: {  	s3 =	sld [smem:$0x3FFD];
	_ =	sdelay $0x3  }
0x95: {  	_ =	strace s3  }
0x96: {  	s21 =	simm.s32 $0x1B8B;
	_ =	strace $0x8FFFFFFF  }
0x97: {  	_ =	swait.ge [sflag:s21], $0x1  }
0x98: {  	[sflag:s21] =	ssyncset.done $0x0  }
0x99: {  	s22 =	simm.s32 $0x1B8E;
	[sflag:s21] =	ssyncadd.s32 $0xFFFFFFFF  }
0x9a: {  	[smem:$0x3FD2] =	sst s22  }
0x9b: {  	s23 =	simm.s32 $0xA;
	s4 =	simm.s32 $0x10;
	_ =	strace $0x80000046  }
0x9c: {  	[smem:s4], [sflag:s23] =	dma.local [hbm:s2], $0x10  }
0x9d: {  	_ =	swait.ge [sflag:s23], $0x10  }
0x9e: {  	[sflag:s23] =	ssyncset.done $0x0  }
0x9f: {  	[sflag:s23] =	ssyncadd.s32 $0xFFFFFFF0  }
0xa0: {  	s24 =	sld [smem:$0x11]  }
0xa1: {  	s16 =	sld [smem:$0x12]  }
0xa2: {  	s17 =	sld [smem:$0x13]  }
0xa3: {  	s18 =	sld [smem:$0x14]  }
0xa4: {  	s15 =	sld [smem:$0x15]  }
0xa5: {  	s14 =	sld [smem:$0x16]  }
0xa6: {  	s3 =	sld [smem:$0x10]  }
0xa7: {  	s13 =	sld [smem:$0x17]  }
0xa8: {  	s12 =	sld [smem:$0x18]  }
0xa9: {  	s11 =	sld [smem:$0x19]  }
0xaa: {  	s10 =	sld [smem:$0x1A]  }
0xab: {  	s9 =	sld [smem:$0x1B]  }
0xac: {  	s2 =	simm.s32 $0x9;
	s8 =	sld [smem:$0x1C];
	s3 =	sadd.s32 $0xFFFFFFFF, s3  }
0xad: {  	s7 =	sld [smem:$0x1D];
	s25 =	sshll.u32 s3, $0xA;
	s3 =	sshll.u32 s3, $0x7  }
0xae: {  	s6 =	sld [smem:$0x1E];
	s4 =	sand.u32 $0xFFFFE000, s25;
	s3 =	sand.u32 $0x380, s3  }
0xaf: {  	s5 =	sld [smem:$0x1F];
	s19 =	sadd.s32 $0xFFFFFFFF, s24;
	s3 =	sor.u32 s3, s4  }
0xb0: {  	s26 =	sshll.u32 s19, $0xA;
	s19 =	sshll.u32 s19, $0x7;
	s3 =	sshrl.u32 s3, $0x3  }
0xb1: {  	s4 =	simm.s32 $0x80;
	s20 =	sadd.s32 s0, s3;
	s3 =	simm.s32 $0x1  }
0xb2: {  	[hbm:s1@s4], [sflag:s2] =	dma.strided [hbm:s20@s4], $0x80, s3, $0x10   }
0xb3: {  	s19 =	sand.u32 $0x380, s19;
	s20 =	sand.u32 $0xFFFFE000, s26  }
0xb4: {  	s19 =	sor.u32 s19, s20  }
0xb5: {  	s19 =	sshrl.u32 s19, $0x3  }
0xb6: {  	s28 =	sadd.s32 $0x10, s1;
	s16 =	sadd.s32 $0xFFFFFFFF, s16;
	s19 =	sadd.s32 s19, s0  }
0xb7: {  	s29 =	sshll.u32 s16, $0xA;
	s16 =	sshll.u32 s16, $0x7;
	s19 =	sadd.s32 $0x40000, s19  }
0xb8: {  	[hbm:s28@s4], [sflag:s2] =	dma.strided [hbm:s19@s4], $0x80, s3, $0x10   }
0xb9: {  	s16 =	sand.u32 $0x380, s16;
	s19 =	sand.u32 $0xFFFFE000, s29  }
0xba: {  	s16 =	sor.u32 s16, s19  }
0xbb: {  	s16 =	sshrl.u32 s16, $0x3  }
0xbc: {  	s30 =	sadd.s32 $0x20, s1;
	s17 =	sadd.s32 $0xFFFFFFFF, s17;
	s16 =	sadd.s32 s16, s0  }
0xbd: {  	s31 =	sshll.u32 s17, $0xA;
	s17 =	sshll.u32 s17, $0x7;
	s16 =	sadd.s32 $0x80000, s16  }
0xbe: {  	[hbm:s30@s4], [sflag:s2] =	dma.strided [hbm:s16@s4], $0x80, s3, $0x10   }
0xbf: {  	s17 =	sand.u32 $0x380, s17;
	s16 =	sand.u32 $0xFFFFE000, s31  }
0xc0: {  	s16 =	sor.u32 s17, s16  }
0xc1: {  	s16 =	sshrl.u32 s16, $0x3  }
0xc2: {  	s20 =	sadd.s32 $0x30, s1;
	s19 =	sadd.s32 $0xFFFFFFFF, s18;
	s16 =	sadd.s32 s16, s0  }
0xc3: {  	s21 =	sshll.u32 s19, $0xA;
	s17 =	sshll.u32 s19, $0x7;
	s16 =	sadd.s32 $0xC0000, s16  }
0xc4: {  	[hbm:s20@s4], [sflag:s2] =	dma.strided [hbm:s16@s4], $0x80, s3, $0x10   }
0xc5: {  	s17 =	sand.u32 $0x380, s17;
	s16 =	sand.u32 $0xFFFFE000, s21  }
0xc6: {  	s16 =	sor.u32 s17, s16  }
0xc7: {  	s16 =	sshrl.u32 s16, $0x3  }
0xc8: {  	s22 =	sadd.s32 $0x40, s1;
	s15 =	sadd.s32 $0xFFFFFFFF, s15;
	s16 =	sadd.s32 s16, s0  }
0xc9: {  	s23 =	sshll.u32 s15, $0xA;
	s15 =	sshll.u32 s15, $0x7;
	s16 =	sadd.s32 $0x100000, s16  }
0xca: {  	[hbm:s22@s4], [sflag:s2] =	dma.strided [hbm:s16@s4], $0x80, s3, $0x10   }
0xcb: {  	s15 =	sand.u32 $0x380, s15;
	s16 =	sand.u32 $0xFFFFE000, s23  }
0xcc: {  	s15 =	sor.u32 s15, s16  }
0xcd: {  	s15 =	sshrl.u32 s15, $0x3  }
0xce: {  	s14 =	sadd.s32 $0xFFFFFFFF, s14;
	s24 =	sadd.s32 $0x50, s1;
	s15 =	sadd.s32 s15, s0  }
0xcf: {  	s25 =	sshll.u32 s14, $0xA;
	s14 =	sshll.u32 s14, $0x7;
	s15 =	sadd.s32 $0x140000, s15  }
0xd0: {  	[hbm:s24@s4], [sflag:s2] =	dma.strided [hbm:s15@s4], $0x80, s3, $0x10   }
0xd1: {  	s14 =	sand.u32 $0x380, s14;
	s15 =	sand.u32 $0xFFFFE000, s25  }
0xd2: {  	s14 =	sor.u32 s14, s15  }
0xd3: {  	s14 =	sshrl.u32 s14, $0x3  }
0xd4: {  	s13 =	sadd.s32 $0xFFFFFFFF, s13;
	s26 =	sadd.s32 $0x60, s1;
	s14 =	sadd.s32 s14, s0  }
0xd5: {  	s28 =	sshll.u32 s13, $0xA;
	s13 =	sshll.u32 s13, $0x7;
	s14 =	sadd.s32 $0x180000, s14  }
0xd6: {  	[hbm:s26@s4], [sflag:s2] =	dma.strided [hbm:s14@s4], $0x80, s3, $0x10   }
0xd7: {  	s13 =	sand.u32 $0x380, s13;
	s14 =	sand.u32 $0xFFFFE000, s28  }
0xd8: {  	s13 =	sor.u32 s13, s14  }
0xd9: {  	s13 =	sshrl.u32 s13, $0x3  }
0xda: {  	s12 =	sadd.s32 $0xFFFFFFFF, s12;
	s29 =	sadd.s32 $0x70, s1;
	s13 =	sadd.s32 s13, s0  }
0xdb: {  	s30 =	sshll.u32 s12, $0xA;
	s12 =	sshll.u32 s12, $0x7;
	s13 =	sadd.s32 $0x1C0000, s13  }
0xdc: {  	[hbm:s29@s4], [sflag:s2] =	dma.strided [hbm:s13@s4], $0x80, s3, $0x10   }
0xdd: {  	s12 =	sand.u32 $0x380, s12;
	s13 =	sand.u32 $0xFFFFE000, s30  }
0xde: {  	s12 =	sor.u32 s12, s13  }
0xdf: {  	s12 =	sshrl.u32 s12, $0x3  }
0xe0: {  	s11 =	sadd.s32 $0xFFFFFFFF, s11;
	s31 =	sadd.s32 $0x400, s1;
	s12 =	sadd.s32 s12, s0  }
0xe1: {  	s14 =	sshll.u32 s11, $0xA;
	s11 =	sshll.u32 s11, $0x7;
	s12 =	sadd.s32 $0x200000, s12  }
0xe2: {  	[hbm:s31@s4], [sflag:s2] =	dma.strided [hbm:s12@s4], $0x80, s3, $0x10   }
0xe3: {  	s11 =	sand.u32 $0x380, s11;
	s12 =	sand.u32 $0xFFFFE000, s14  }
0xe4: {  	s11 =	sor.u32 s11, s12  }
0xe5: {  	s10 =	sadd.s32 $0xFFFFFFFF, s10;
	s11 =	sshrl.u32 s11, $0x3  }
0xe6: {  	s16 =	sshll.u32 s10, $0xA;
	s11 =	sadd.s32 s11, s0  }
0xe7: {  	s10 =	sshll.u32 s10, $0x7;
	s15 =	sadd.s32 $0x410, s1;
	s11 =	sadd.s32 $0x240000, s11  }
0xe8: {  	[hbm:s15@s4], [sflag:s2] =	dma.strided [hbm:s11@s4], $0x80, s3, $0x10   }
0xe9: {  	s10 =	sand.u32 $0x380, s10;
	s11 =	sand.u32 $0xFFFFE000, s16  }
0xea: {  	s10 =	sor.u32 s10, s11  }
0xeb: {  	s9 =	sadd.s32 $0xFFFFFFFF, s9;
	s10 =	sshrl.u32 s10, $0x3  }
0xec: {  	s18 =	sshll.u32 s9, $0xA;
	s10 =	sadd.s32 s10, s0  }
0xed: {  	s9 =	sshll.u32 s9, $0x7;
	s17 =	sadd.s32 $0x420, s1;
	s10 =	sadd.s32 $0x280000, s10  }
0xee: {  	[hbm:s17@s4], [sflag:s2] =	dma.strided [hbm:s10@s4], $0x80, s3, $0x10   }
0xef: {  	s9 =	sand.u32 $0x380, s9;
	s10 =	sand.u32 $0xFFFFE000, s18  }
0xf0: {  	s9 =	sor.u32 s9, s10  }
0xf1: {  	s9 =	sshrl.u32 s9, $0x3  }
0xf2: {  	s8 =	sadd.s32 $0xFFFFFFFF, s8;
	s19 =	sadd.s32 $0x430, s1;
	s9 =	sadd.s32 s9, s0  }
0xf3: {  	s20 =	sshll.u32 s8, $0xA;
	s8 =	sshll.u32 s8, $0x7;
	s9 =	sadd.s32 $0x2C0000, s9  }
0xf4: {  	[hbm:s19@s4], [sflag:s2] =	dma.strided [hbm:s9@s4], $0x80, s3, $0x10   }
0xf5: {  	s8 =	sand.u32 $0x380, s8;
	s9 =	sand.u32 $0xFFFFE000, s20  }
0xf6: {  	s8 =	sor.u32 s8, s9  }
0xf7: {  	s8 =	sshrl.u32 s8, $0x3  }
0xf8: {  	s7 =	sadd.s32 $0xFFFFFFFF, s7;
	s21 =	sadd.s32 $0x440, s1;
	s8 =	sadd.s32 s8, s0  }
0xf9: {  	s22 =	sshll.u32 s7, $0xA;
	s7 =	sshll.u32 s7, $0x7;
	s8 =	sadd.s32 $0x300000, s8  }
0xfa: {  	[hbm:s21@s4], [sflag:s2] =	dma.strided [hbm:s8@s4], $0x80, s3, $0x10   }
0xfb: {  	s7 =	sand.u32 $0x380, s7;
	s8 =	sand.u32 $0xFFFFE000, s22  }
0xfc: {  	s7 =	sor.u32 s7, s8  }
0xfd: {  	s7 =	sshrl.u32 s7, $0x3  }
0xfe: {  	s6 =	sadd.s32 $0xFFFFFFFF, s6;
	s23 =	sadd.s32 $0x450, s1;
	s7 =	sadd.s32 s7, s0  }
0xff: {  	s24 =	sshll.u32 s6, $0xA;
	s6 =	sshll.u32 s6, $0x7;
	s7 =	sadd.s32 $0x340000, s7  }
0x100: {  	[hbm:s23@s4], [sflag:s2] =	dma.strided [hbm:s7@s4], $0x80, s3, $0x10   }
0x101: {  	s6 =	sand.u32 $0x380, s6;
	s7 =	sand.u32 $0xFFFFE000, s24  }
0x102: {  	s6 =	sor.u32 s6, s7  }
0x103: {  	s6 =	sshrl.u32 s6, $0x3  }
0x104: {  	s5 =	sadd.s32 $0xFFFFFFFF, s5;
	s25 =	sadd.s32 $0x460, s1;
	s6 =	sadd.s32 s6, s0  }
0x105: {  	s26 =	sshll.u32 s5, $0xA;
	s5 =	sshll.u32 s5, $0x7;
	s6 =	sadd.s32 $0x380000, s6  }
0x106: {  	[hbm:s25@s4], [sflag:s2] =	dma.strided [hbm:s6@s4], $0x80, s3, $0x10   }
0x107: {  	s5 =	sand.u32 $0x380, s5;
	s6 =	sand.u32 $0xFFFFE000, s26  }
0x108: {  	s5 =	sor.u32 s5, s6  }
0x109: {  	s5 =	sshrl.u32 s5, $0x3  }
0x10a: {  	s0 =	sadd.s32 s5, s0  }
0x10b: {  	s1 =	sadd.s32 $0x470, s1;
	s0 =	sadd.s32 $0x3C0000, s0  }
0x10c: {  	[hbm:s1@s4], [sflag:s2] =	dma.strided [hbm:s0@s4], $0x80, s3, $0x10   }
0x10d: {  	_ =	swait.ge [sflag:s2], $0x80  }
0x10e: {  	[sflag:s2] =	ssyncset.done $0x0  }
0x10f: {  	[sflag:s2] =	ssyncadd.s32 $0xFFFFFF80;
	_ =	sdelay $0x2  }
0x110: {  	_ =	swait.ge [sflag:s2], $0x80  }
0x111: {  	[sflag:s2] =	ssyncset.done $0x0  }
0x112: {  	[sflag:s2] =	ssyncadd.s32 $0xFFFFFF80;
	_ =	sdelay $0x2  }
0x113: {  	_ =	swait.ge [sflag:s2], $0x80  }
0x114: {  	[sflag:s2] =	ssyncset.done $0x0  }
0x115: {  	[sflag:s2] =	ssyncadd.s32 $0xFFFFFF80;
	_ =	sdelay $0x2  }
0x116: {  	_ =	swait.ge [sflag:s2], $0x80  }
0x117: {  	[sflag:s2] =	ssyncset.done $0x0  }
0x118: {  	[sflag:s2] =	ssyncadd.s32 $0xFFFFFF80;
	_ =	sdelay $0x2  }
0x119: {  	_ =	swait.ge [sflag:s2], $0x80  }
0x11a: {  	[sflag:s2] =	ssyncset.done $0x0  }
0x11b: {  	[sflag:s2] =	ssyncadd.s32 $0xFFFFFF80;
	_ =	sdelay $0x2  }
0x11c: {  	_ =	swait.ge [sflag:s2], $0x80  }
0x11d: {  	[sflag:s2] =	ssyncset.done $0x0  }
0x11e: {  	[sflag:s2] =	ssyncadd.s32 $0xFFFFFF80;
	_ =	sdelay $0x2  }
0x11f: {  	_ =	swait.ge [sflag:s2], $0x80  }
0x120: {  	[sflag:s2] =	ssyncset.done $0x0  }
0x121: {  	[sflag:s2] =	ssyncadd.s32 $0xFFFFFF80;
	_ =	sdelay $0x2  }
0x122: {  	_ =	swait.ge [sflag:s2], $0x80  }
0x123: {  	[sflag:s2] =	ssyncset.done $0x0  }
0x124: {  	[sflag:s2] =	ssyncadd.s32 $0xFFFFFF80;
	_ =	sdelay $0x2  }
0x125: {  	_ =	swait.ge [sflag:s2], $0x80  }
0x126: {  	[sflag:s2] =	ssyncset.done $0x0  }
0x127: {  	[sflag:s2] =	ssyncadd.s32 $0xFFFFFF80;
	_ =	sdelay $0x2  }
0x128: {  	_ =	swait.ge [sflag:s2], $0x80  }
0x129: {  	[sflag:s2] =	ssyncset.done $0x0  }
0x12a: {  	[sflag:s2] =	ssyncadd.s32 $0xFFFFFF80;
	_ =	sdelay $0x2  }
0x12b: {  	_ =	swait.ge [sflag:s2], $0x80  }
0x12c: {  	[sflag:s2] =	ssyncset.done $0x0  }
0x12d: {  	[sflag:s2] =	ssyncadd.s32 $0xFFFFFF80;
	_ =	sdelay $0x2  }
0x12e: {  	_ =	swait.ge [sflag:s2], $0x80  }
0x12f: {  	[sflag:s2] =	ssyncset.done $0x0  }
0x130: {  	[sflag:s2] =	ssyncadd.s32 $0xFFFFFF80;
	_ =	sdelay $0x2  }
0x131: {  	_ =	swait.ge [sflag:s2], $0x80  }
0x132: {  	[sflag:s2] =	ssyncset.done $0x0  }
0x133: {  	[sflag:s2] =	ssyncadd.s32 $0xFFFFFF80;
	_ =	sdelay $0x2  }
0x134: {  	_ =	swait.ge [sflag:s2], $0x80  }
0x135: {  	[sflag:s2] =	ssyncset.done $0x0  }
0x136: {  	[sflag:s2] =	ssyncadd.s32 $0xFFFFFF80;
	_ =	sdelay $0x2  }
0x137: {  	_ =	swait.ge [sflag:s2], $0x80  }
0x138: {  	[sflag:s2] =	ssyncset.done $0x0  }
0x139: {  	[sflag:s2] =	ssyncadd.s32 $0xFFFFFF80;
	_ =	sdelay $0x2  }
0x13a: {  	_ =	swait.ge [sflag:s2], $0x80  }
0x13b: {  	[sflag:s2] =	ssyncset.done $0x0  }
0x13c: {  	[sflag:s2] =	ssyncadd.s32 $0xFFFFFF80  }
0x13d: {  	_ =	strace $0x90000046  }
0x13e: {  	_ =	sfence  }
0x13f: {  	s28 =	sld [smem:$0x0];
	_ =	sdelay $0x1  }
0x140: {  	s29 =	srdreg.scid  }
0x141: {  	s30 =	sshll.u32 s29, $0xD;
	s31 =	sshrl.u32 s29, $0x2  }
0x142: {  	s1 =	sand.u32 $0x1, s29;
	s2 =	sand.u32 $0x4000, s30;
	s0 =	sadd.s32 s31, s28  }
0x143: {  	s1 =	sor.u32 s2, s1;
	s0 =	sshll.u32 s0, $0x11  }
0x144: {  	s0 =	sor.u32 s0, s1  }
0x145: {  	s0 =	sadd.s32 $0x8F2B, s0;
	(pc) =	sbr.abs _section_cstart, $3  }
0x146: {  	[sflag:s0] =	ssyncadd.remote.s32 $0x1  }
0x147: {  	_ =	strace $0x9FFFFFFF  }
0x148: {  	(tm) =	ssettm $0x7FFFFFFF  }
0x149: {  	_ =	shalt  }

</sc_bundles>
